<compile_context>
chip_gen: v7x
topology: tpu7x:2x2x1
jax: 0.10.2.dev20260603
libtpu: 0.0.44.dev20260713+nightly
codegen_flags: <defaults>
</compile_context>

<pallas_src>
import functools

import jax
import jax.numpy as jnp
from jax import lax
from jax.experimental import pallas as pl
from jax.experimental.pallas import tpu as pltpu
from jax.experimental.pallas import tpu_sc as plsc

NC = 2
NS = 16
CW = 128
DW = 16


def _sc_aggregate(fb, src_r, dst_r, zeros_acc, zeros_deg, ones_deg,
                  n, n_pad, cpw):
    rows_per_sub = n_pad // NS
    mesh = plsc.VectorSubcoreMesh(core_axis_name="c", subcore_axis_name="s")

    @functools.partial(
        pl.kernel,
        out_type=(
            jax.ShapeDtypeStruct((NC, n_pad, 128), jnp.bfloat16),
            jax.ShapeDtypeStruct((NC, n_pad, DW), jnp.float32),
        ),
        mesh=mesh,
        compiler_params=pltpu.CompilerParams(use_tc_tiling_on_sc=False),
        scratch_types=(
            pltpu.VMEM((cpw, CW), jnp.int32),
            pltpu.VMEM((cpw, CW), jnp.int32),
            pltpu.VMEM((CW, 128), jnp.bfloat16),
            pltpu.VMEM((CW, DW), jnp.float32),
            pltpu.VMEM_SHARED((n_pad, 128), jnp.bfloat16),
            pltpu.VMEM_SHARED((n_pad, DW), jnp.float32),
            pltpu.SemaphoreType.DMA,
        ),
    )
    def k(feat_hbm, src_hbm, dst_hbm, zacc_hbm, zdeg_hbm, ones_hbm,
          pagg_hbm, deg_hbm, src_v, dst_v, rows_v, ones_v, acc, dacc, sem):
        c = lax.axis_index("c")
        s = lax.axis_index("s")
        r0 = pl.multiple_of(s * rows_per_sub, 8)
        pltpu.sync_copy(zacc_hbm.at[pl.ds(r0, rows_per_sub)],
                        acc.at[pl.ds(r0, rows_per_sub)])
        pltpu.sync_copy(zdeg_hbm.at[pl.ds(r0, rows_per_sub)],
                        dacc.at[pl.ds(r0, rows_per_sub)])
        pltpu.sync_copy(ones_hbm, ones_v)
        pltpu.sync_copy(src_hbm.at[c, s], src_v)
        pltpu.sync_copy(dst_hbm.at[c, s], dst_v)
        plsc.subcore_barrier()

        def body(j, carry):
            cp = pltpu.async_copy(feat_hbm.at[src_v.at[j]], rows_v, sem)

            pltpu.sync_copy(ones_v, dacc.at[dst_v.at[j]], add=True)

            cp.wait()
            pltpu.sync_copy(rows_v, acc.at[dst_v.at[j]], add=True)
            return carry

        lax.fori_loop(0, cpw, body, 0)
        plsc.subcore_barrier()
        pltpu.sync_copy(acc.at[pl.ds(r0, rows_per_sub)],
                        pagg_hbm.at[c, pl.ds(r0, rows_per_sub)])
        pltpu.sync_copy(dacc.at[pl.ds(r0, rows_per_sub)],
                        deg_hbm.at[c, pl.ds(r0, rows_per_sub)])

    return k(fb, src_r, dst_r, zeros_acc, zeros_deg, ones_deg)


def _tc_finish(pagg, deg, W, n, blk):
    def body(pagg_ref, deg_ref, w_ref, out_ref):
        a = (pagg_ref[0].astype(jnp.float32)
             + pagg_ref[1].astype(jnp.float32))
        d = deg_ref[0] + deg_ref[1]
        rowsum = jnp.sum(d, axis=1, keepdims=True)
        scale = float(DW) / jnp.maximum(rowsum, float(DW))
        h = a * scale
        out_ref[...] = lax.dot_general(
            h, w_ref[...], (((1,), (1,)), ((), ())),
            preferred_element_type=jnp.float32)

    return pl.pallas_call(
        body,
        grid=(n // blk,),
        in_specs=[
            pl.BlockSpec((NC, blk, 128), lambda i: (0, i, 0)),
            pl.BlockSpec((NC, blk, DW), lambda i: (0, i, 0)),
            pl.BlockSpec((128, 128), lambda i: (0, 0)),
        ],
        out_specs=pl.BlockSpec((blk, 128), lambda i: (i, 0)),
        out_shape=jax.ShapeDtypeStruct((n, 128), jnp.float32),
    )(pagg, deg, W)


def kernel(feature, edge_index, W):
    n, _ = feature.shape
    e = edge_index.shape[1]
    src = edge_index[0].astype(jnp.int32)
    dst = edge_index[1].astype(jnp.int32)

    cpw = -(-e // (NC * NS * CW))
    e_cap = NC * NS * cpw * CW
    n_pad = -(-(n + 1) // (NS * 8)) * (NS * 8)

    fb = feature.astype(jnp.bfloat16)
    fb = jnp.concatenate([fb, fb], axis=0)

    pad = e_cap - e
    src_r = (jnp.concatenate([src, jnp.zeros((pad,), jnp.int32)]
                             ).reshape(NC, NS, cpw, CW)
             + (jnp.arange(NC, dtype=jnp.int32) * n)[:, None, None, None])
    dst_r = jnp.concatenate([dst, jnp.full((pad,), n, jnp.int32)]
                            ).reshape(NC, NS, cpw, CW)

    zeros_acc = jnp.zeros((n_pad, 128), jnp.bfloat16)
    zeros_deg = jnp.zeros((n_pad, DW), jnp.float32)
    ones_deg = jnp.ones((CW, DW), jnp.float32)

    pagg, deg = _sc_aggregate(fb, src_r, dst_r, zeros_acc, zeros_deg,
                              ones_deg, n, n_pad, cpw)
    return _tc_finish(pagg, deg, W, n, 1000)

# --- scband reference (transcript-rebuilt; emitter-appended) ---
"""Pipeline reference for scband-gcnlayer-48765058679293 (READ-ONLY COPY).

The authoritative reference and input builder live on the scoring server;
editing this copy changes nothing except your own understanding.
"""

import jax, jax.numpy as jnp
import numpy as np

N = 10000
E = 320000
D_IN = 128
D_OUT = 128


def setup_inputs(seed: int = 0) -> dict:
    key = jax.random.key(seed)
    k1, k2, k3 = jax.random.split(key, 3)
    feature = jax.random.normal(k1, (N, D_IN), dtype=jnp.float32)
    edge_index = jax.random.randint(k2, (2, E), 0, N, dtype=jnp.int64)
    # nn.Linear(in_dim, out_dim, bias=False) weight, xavier_normal init
    std = float(np.sqrt(2.0 / (D_IN + D_OUT)))
    W = jax.random.normal(k3, (D_OUT, D_IN), dtype=jnp.float32) * std
    return {"feature": feature, "edge_index": edge_index, "W": W}


def reference(feature, edge_index, W):
    # DGL: update_all(copy_src('h'->'m'), mean('m'->'h'))
    src = edge_index[0]
    dst = edge_index[1]
    msg = jnp.take(feature, src, axis=0)                      # gather [E, D]
    agg = jax.ops.segment_sum(msg, dst, num_segments=N)       # scatter-add [N, D]
    deg = jax.ops.segment_sum(jnp.ones((E,), dtype=feature.dtype), dst, num_segments=N)
    # mean over incoming messages; zero in-degree nodes -> 0 (matches DGL mean)
    h = agg / jnp.maximum(deg, 1.0)[:, None]
    # apply_nodes: NodeApplyModule linear (bias=False)
    h = h @ W.T
    # activation=None, no norms, residual=False, dropout=0 (identity in eval)
    return h

if __name__ == "__main__":
    import jax
    _d = setup_inputs()
    print(jax.jit(kernel)(*tuple(_d.values())))

</pallas_src>

<mosaic_0001>
#map = affine_map<(d0, d1) -> (0, 0)>
#map1 = affine_map<(d0, d1) -> (0, 0, 0, 0)>
#map2 = affine_map<(d0, d1) -> (0, 0, 0)>
module attributes {stable_mosaic.version = 14 : i64} {
  func.func @k(%arg0: i32, %arg1: i32, %arg2: memref<20000x128xbf16, #tpu.memory_space<hbm>>, %arg3: memref<2x16x79x128xi32, #tpu.memory_space<hbm>>, %arg4: memref<2x16x79x128xi32, #tpu.memory_space<hbm>>, %arg5: memref<10112x128xbf16, #tpu.memory_space<hbm>>, %arg6: memref<10112x16xf32, #tpu.memory_space<hbm>>, %arg7: memref<128x16xf32, #tpu.memory_space<hbm>>, %arg8: memref<2x10112x128xbf16, #tpu.memory_space<hbm>>, %arg9: memref<2x10112x16xf32, #tpu.memory_space<hbm>>, %arg10: memref<79x128xi32, #tpu.memory_space<vmem>>, %arg11: memref<79x128xi32, #tpu.memory_space<vmem>>, %arg12: memref<128x128xbf16, #tpu.memory_space<vmem>>, %arg13: memref<128x16xf32, #tpu.memory_space<vmem>>, %arg14: memref<10112x128xbf16, #tpu.memory_space<vmem_shared>>, %arg15: memref<10112x16xf32, #tpu.memory_space<vmem_shared>>, %arg16: memref<!tpu.dma_semaphore, #tpu.memory_space<semaphore_mem>>) attributes {dimension_semantics = [#tpu.dimension_semantics<core_parallel>, #tpu.dimension_semantics<subcore_parallel>], iteration_bounds = array<i64: 2, 16>, scalar_prefetch = 0 : i64, scratch_operands = 7 : i64, tpu.core_type = #tpu.core_type<sc_vector_subcore>, window_params = [{transform_indices = #map}, {transform_indices = #map1}, {transform_indices = #map1}, {transform_indices = #map}, {transform_indices = #map}, {transform_indices = #map}, {transform_indices = #map2}, {transform_indices = #map2}]} {
    %mul3A = arith.constant 632 : i32
    %mul3A_0 = arith.muli %arg1, %mul3A : i32
    %multiple_of3A = tpu.assume_multiple %mul3A_0, 8 : i32
    "tpu.region"() ({
      %run_scoped3A = tpu.sem_alloc : memref<!tpu.dma_semaphore, #tpu.memory_space<semaphore_mem>>
      %dma_start3A = arith.constant 0 : i32
      %dma_start3A_7 = tpu.memref_slice %arg14[%multiple_of3A, %dma_start3A] : memref<10112x128xbf16, #tpu.memory_space<vmem_shared>> -> memref<632x128xbf16, #tpu.memory_space<vmem_shared>>
      %dma_start3A_8 = arith.constant 0 : i32
      %dma_start3A_9 = tpu.memref_slice %arg5[%multiple_of3A, %dma_start3A_8] : memref<10112x128xbf16, #tpu.memory_space<hbm>> -> memref<632x128xbf16, #tpu.memory_space<hbm>>
      tpu.enqueue_dma source(%dma_start3A_9 : memref<632x128xbf16, #tpu.memory_space<hbm>>) target(%dma_start3A_7 : memref<632x128xbf16, #tpu.memory_space<vmem_shared>>) target_semaphore(%run_scoped3A : memref<!tpu.dma_semaphore, #tpu.memory_space<semaphore_mem>>)
      %dma_wait3A = arith.constant 0 : i32
      %dma_wait3A_10 = tpu.memref_slice %arg14[%multiple_of3A, %dma_wait3A] : memref<10112x128xbf16, #tpu.memory_space<vmem_shared>> -> memref<632x128xbf16, #tpu.memory_space<vmem_shared>>
      %dma_wait3A_11 = arith.constant 0 : i32
      %dma_wait3A_12 = tpu.memref_slice %arg5[%multiple_of3A, %dma_wait3A_11] : memref<10112x128xbf16, #tpu.memory_space<hbm>> -> memref<632x128xbf16, #tpu.memory_space<hbm>>
      tpu.wait_dma2 semaphore(%run_scoped3A : memref<!tpu.dma_semaphore, #tpu.memory_space<semaphore_mem>>) src(%dma_wait3A_12 : memref<632x128xbf16, #tpu.memory_space<hbm>>) dst(%dma_wait3A_10 : memref<632x128xbf16, #tpu.memory_space<vmem_shared>>)
      tpu.yield
    }) : () -> ()
    "tpu.region"() ({
      %run_scoped3A = tpu.sem_alloc : memref<!tpu.dma_semaphore, #tpu.memory_space<semaphore_mem>>
      %dma_start3A = arith.constant 0 : i32
      %dma_start3A_7 = tpu.memref_slice %arg15[%multiple_of3A, %dma_start3A] : memref<10112x16xf32, #tpu.memory_space<vmem_shared>> -> memref<632x16xf32, #tpu.memory_space<vmem_shared>>
      %dma_start3A_8 = arith.constant 0 : i32
      %dma_start3A_9 = tpu.memref_slice %arg6[%multiple_of3A, %dma_start3A_8] : memref<10112x16xf32, #tpu.memory_space<hbm>> -> memref<632x16xf32, #tpu.memory_space<hbm>>
      tpu.enqueue_dma source(%dma_start3A_9 : memref<632x16xf32, #tpu.memory_space<hbm>>) target(%dma_start3A_7 : memref<632x16xf32, #tpu.memory_space<vmem_shared>>) target_semaphore(%run_scoped3A : memref<!tpu.dma_semaphore, #tpu.memory_space<semaphore_mem>>)
      %dma_wait3A = arith.constant 0 : i32
      %dma_wait3A_10 = tpu.memref_slice %arg15[%multiple_of3A, %dma_wait3A] : memref<10112x16xf32, #tpu.memory_space<vmem_shared>> -> memref<632x16xf32, #tpu.memory_space<vmem_shared>>
      %dma_wait3A_11 = arith.constant 0 : i32
      %dma_wait3A_12 = tpu.memref_slice %arg6[%multiple_of3A, %dma_wait3A_11] : memref<10112x16xf32, #tpu.memory_space<hbm>> -> memref<632x16xf32, #tpu.memory_space<hbm>>
      tpu.wait_dma2 semaphore(%run_scoped3A : memref<!tpu.dma_semaphore, #tpu.memory_space<semaphore_mem>>) src(%dma_wait3A_12 : memref<632x16xf32, #tpu.memory_space<hbm>>) dst(%dma_wait3A_10 : memref<632x16xf32, #tpu.memory_space<vmem_shared>>)
      tpu.yield
    }) : () -> ()
    "tpu.region"() ({
      %run_scoped3A = tpu.sem_alloc : memref<!tpu.dma_semaphore, #tpu.memory_space<semaphore_mem>>
      tpu.enqueue_dma source(%arg7 : memref<128x16xf32, #tpu.memory_space<hbm>>) target(%arg13 : memref<128x16xf32, #tpu.memory_space<vmem>>) target_semaphore(%run_scoped3A : memref<!tpu.dma_semaphore, #tpu.memory_space<semaphore_mem>>)
      tpu.wait_dma2 semaphore(%run_scoped3A : memref<!tpu.dma_semaphore, #tpu.memory_space<semaphore_mem>>) src(%arg7 : memref<128x16xf32, #tpu.memory_space<hbm>>) dst(%arg13 : memref<128x16xf32, #tpu.memory_space<vmem>>)
      tpu.yield
    }) : () -> ()
    "tpu.region"() ({
      %run_scoped3A = tpu.sem_alloc : memref<!tpu.dma_semaphore, #tpu.memory_space<semaphore_mem>>
      %dma_start3A = arith.constant 0 : i32
      %dma_start3A_7 = arith.constant 0 : i32
      %dma_start3A_8 = tpu.memref_slice %arg3[%arg0, %arg1, %dma_start3A, %dma_start3A_7] : memref<2x16x79x128xi32, #tpu.memory_space<hbm>> -> memref<1x1x79x128xi32, #tpu.memory_space<hbm>>
      %dma_start3A_9 = tpu.memref_squeeze %dma_start3A_8 : memref<1x1x79x128xi32, #tpu.memory_space<hbm>> -> memref<79x128xi32, #tpu.memory_space<hbm>>
      %dma_start3A_10 = arith.constant 0 : i32
      %dma_start3A_11 = arith.constant 0 : i32
      %dma_start3A_12 = tpu.memref_slice %arg3[%arg0, %arg1, %dma_start3A_10, %dma_start3A_11] : memref<2x16x79x128xi32, #tpu.memory_space<hbm>> -> memref<1x1x79x128xi32, #tpu.memory_space<hbm>>
      %dma_start3A_13 = tpu.memref_squeeze %dma_start3A_12 : memref<1x1x79x128xi32, #tpu.memory_space<hbm>> -> memref<79x128xi32, #tpu.memory_space<hbm>>
      tpu.enqueue_dma source(%dma_start3A_13 : memref<79x128xi32, #tpu.memory_space<hbm>>) target(%arg10 : memref<79x128xi32, #tpu.memory_space<vmem>>) target_semaphore(%run_scoped3A : memref<!tpu.dma_semaphore, #tpu.memory_space<semaphore_mem>>)
      %dma_wait3A = arith.constant 0 : i32
      %dma_wait3A_14 = arith.constant 0 : i32
      %dma_wait3A_15 = tpu.memref_slice %arg3[%arg0, %arg1, %dma_wait3A, %dma_wait3A_14] : memref<2x16x79x128xi32, #tpu.memory_space<hbm>> -> memref<1x1x79x128xi32, #tpu.memory_space<hbm>>
      %dma_wait3A_16 = tpu.memref_squeeze %dma_wait3A_15 : memref<1x1x79x128xi32, #tpu.memory_space<hbm>> -> memref<79x128xi32, #tpu.memory_space<hbm>>
      %dma_wait3A_17 = arith.constant 0 : i32
      %dma_wait3A_18 = arith.constant 0 : i32
      %dma_wait3A_19 = tpu.memref_slice %arg3[%arg0, %arg1, %dma_wait3A_17, %dma_wait3A_18] : memref<2x16x79x128xi32, #tpu.memory_space<hbm>> -> memref<1x1x79x128xi32, #tpu.memory_space<hbm>>
      %dma_wait3A_20 = tpu.memref_squeeze %dma_wait3A_19 : memref<1x1x79x128xi32, #tpu.memory_space<hbm>> -> memref<79x128xi32, #tpu.memory_space<hbm>>
      tpu.wait_dma2 semaphore(%run_scoped3A : memref<!tpu.dma_semaphore, #tpu.memory_space<semaphore_mem>>) src(%dma_wait3A_20 : memref<79x128xi32, #tpu.memory_space<hbm>>) dst(%arg10 : memref<79x128xi32, #tpu.memory_space<vmem>>)
      tpu.yield
    }) : () -> ()
    "tpu.region"() ({
      %run_scoped3A = tpu.sem_alloc : memref<!tpu.dma_semaphore, #tpu.memory_space<semaphore_mem>>
      %dma_start3A = arith.constant 0 : i32
      %dma_start3A_7 = arith.constant 0 : i32
      %dma_start3A_8 = tpu.memref_slice %arg4[%arg0, %arg1, %dma_start3A, %dma_start3A_7] : memref<2x16x79x128xi32, #tpu.memory_space<hbm>> -> memref<1x1x79x128xi32, #tpu.memory_space<hbm>>
      %dma_start3A_9 = tpu.memref_squeeze %dma_start3A_8 : memref<1x1x79x128xi32, #tpu.memory_space<hbm>> -> memref<79x128xi32, #tpu.memory_space<hbm>>
      %dma_start3A_10 = arith.constant 0 : i32
      %dma_start3A_11 = arith.constant 0 : i32
      %dma_start3A_12 = tpu.memref_slice %arg4[%arg0, %arg1, %dma_start3A_10, %dma_start3A_11] : memref<2x16x79x128xi32, #tpu.memory_space<hbm>> -> memref<1x1x79x128xi32, #tpu.memory_space<hbm>>
      %dma_start3A_13 = tpu.memref_squeeze %dma_start3A_12 : memref<1x1x79x128xi32, #tpu.memory_space<hbm>> -> memref<79x128xi32, #tpu.memory_space<hbm>>
      tpu.enqueue_dma source(%dma_start3A_13 : memref<79x128xi32, #tpu.memory_space<hbm>>) target(%arg11 : memref<79x128xi32, #tpu.memory_space<vmem>>) target_semaphore(%run_scoped3A : memref<!tpu.dma_semaphore, #tpu.memory_space<semaphore_mem>>)
      %dma_wait3A = arith.constant 0 : i32
      %dma_wait3A_14 = arith.constant 0 : i32
      %dma_wait3A_15 = tpu.memref_slice %arg4[%arg0, %arg1, %dma_wait3A, %dma_wait3A_14] : memref<2x16x79x128xi32, #tpu.memory_space<hbm>> -> memref<1x1x79x128xi32, #tpu.memory_space<hbm>>
      %dma_wait3A_16 = tpu.memref_squeeze %dma_wait3A_15 : memref<1x1x79x128xi32, #tpu.memory_space<hbm>> -> memref<79x128xi32, #tpu.memory_space<hbm>>
      %dma_wait3A_17 = arith.constant 0 : i32
      %dma_wait3A_18 = arith.constant 0 : i32
      %dma_wait3A_19 = tpu.memref_slice %arg4[%arg0, %arg1, %dma_wait3A_17, %dma_wait3A_18] : memref<2x16x79x128xi32, #tpu.memory_space<hbm>> -> memref<1x1x79x128xi32, #tpu.memory_space<hbm>>
      %dma_wait3A_20 = tpu.memref_squeeze %dma_wait3A_19 : memref<1x1x79x128xi32, #tpu.memory_space<hbm>> -> memref<79x128xi32, #tpu.memory_space<hbm>>
      tpu.wait_dma2 semaphore(%run_scoped3A : memref<!tpu.dma_semaphore, #tpu.memory_space<semaphore_mem>>) src(%dma_wait3A_20 : memref<79x128xi32, #tpu.memory_space<hbm>>) dst(%arg11 : memref<79x128xi32, #tpu.memory_space<vmem>>)
      tpu.yield
    }) : () -> ()
    %barrier3A = arith.constant 0 : index
    tpu.barrier barrier_id(%barrier3A)
    %scan3A = arith.constant 0 : i32
    %scan3A_1 = arith.constant 0 : i32
    %scan3A_2 = arith.constant 79 : i32
    %scan3A_3 = arith.addi %scan3A_1, %scan3A_2 : i32
    %scan3A_4 = arith.constant 1 : i32
    scf.for %scan3A_7 = %scan3A_1 to %scan3A_3 step %scan3A_4  : i32 {
      %dma_start3A = arith.constant 0 : i32
      %dma_start3A_8 = tpu.memref_slice %arg10[%scan3A_7, %dma_start3A] : memref<79x128xi32, #tpu.memory_space<vmem>> -> memref<1x128xi32, #tpu.memory_space<vmem>>
      %dma_start3A_9 = tpu.memref_squeeze %dma_start3A_8 : memref<1x128xi32, #tpu.memory_space<vmem>> -> memref<128xi32, #tpu.memory_space<vmem>>
      %dma_start3A_10 = arith.constant 0 : i32
      %dma_start3A_11 = arith.constant 0 : i32
      %dma_start3A_12 = tpu.memref_slice %arg2[%dma_start3A_10, %dma_start3A_11] : memref<20000x128xbf16, #tpu.memory_space<hbm>> -> memref<20000x128xbf16, #tpu.memory_space<hbm>>
      tpu.enqueue_indirect_dma source(%dma_start3A_12 : memref<20000x128xbf16, #tpu.memory_space<hbm>>) target(%arg12 : memref<128x128xbf16, #tpu.memory_space<vmem>>) offsets(%dma_start3A_9 : memref<128xi32, #tpu.memory_space<vmem>>) semaphore(%arg16 : memref<!tpu.dma_semaphore, #tpu.memory_space<semaphore_mem>>)
      "tpu.region"() ({
        %run_scoped3A = tpu.sem_alloc : memref<!tpu.dma_semaphore, #tpu.memory_space<semaphore_mem>>
        %dma_start3A_18 = arith.constant 0 : i32
        %dma_start3A_19 = tpu.memref_slice %arg11[%scan3A_7, %dma_start3A_18] : memref<79x128xi32, #tpu.memory_space<vmem>> -> memref<1x128xi32, #tpu.memory_space<vmem>>
        %dma_start3A_20 = tpu.memref_squeeze %dma_start3A_19 : memref<1x128xi32, #tpu.memory_space<vmem>> -> memref<128xi32, #tpu.memory_space<vmem>>
        %dma_start3A_21 = arith.constant 0 : i32
        %dma_start3A_22 = arith.constant 0 : i32
        %dma_start3A_23 = tpu.memref_slice %arg15[%dma_start3A_21, %dma_start3A_22] : memref<10112x16xf32, #tpu.memory_space<vmem_shared>> -> memref<10112x16xf32, #tpu.memory_space<vmem_shared>>
        tpu.enqueue_indirect_dma source(%arg13 : memref<128x16xf32, #tpu.memory_space<vmem>>) target(%dma_start3A_23 : memref<10112x16xf32, #tpu.memory_space<vmem_shared>>) offsets(%dma_start3A_20 : memref<128xi32, #tpu.memory_space<vmem>>) semaphore(%run_scoped3A : memref<!tpu.dma_semaphore, #tpu.memory_space<semaphore_mem>>) {add = true}
        %dma_wait3A_24 = arith.constant 0 : i32
        %dma_wait3A_25 = tpu.memref_slice %arg11[%scan3A_7, %dma_wait3A_24] : memref<79x128xi32, #tpu.memory_space<vmem>> -> memref<1x128xi32, #tpu.memory_space<vmem>>
        %dma_wait3A_26 = tpu.memref_squeeze %dma_wait3A_25 : memref<1x128xi32, #tpu.memory_space<vmem>> -> memref<128xi32, #tpu.memory_space<vmem>>
        %dma_wait3A_27 = arith.constant 0 : i32
        %dma_wait3A_28 = arith.constant 0 : i32
        %dma_wait3A_29 = tpu.memref_slice %arg15[%dma_wait3A_27, %dma_wait3A_28] : memref<10112x16xf32, #tpu.memory_space<vmem_shared>> -> memref<10112x16xf32, #tpu.memory_space<vmem_shared>>
        tpu.wait_indirect_dma semaphore(%run_scoped3A : memref<!tpu.dma_semaphore, #tpu.memory_space<semaphore_mem>>) src(%arg13 : memref<128x16xf32, #tpu.memory_space<vmem>>) dst(%dma_wait3A_29 : memref<10112x16xf32, #tpu.memory_space<vmem_shared>>)
        tpu.yield
      }) : () -> ()
      %dma_wait3A = arith.constant 0 : i32
      %dma_wait3A_13 = tpu.memref_slice %arg10[%scan3A_7, %dma_wait3A] : memref<79x128xi32, #tpu.memory_space<vmem>> -> memref<1x128xi32, #tpu.memory_space<vmem>>
      %dma_wait3A_14 = tpu.memref_squeeze %dma_wait3A_13 : memref<1x128xi32, #tpu.memory_space<vmem>> -> memref<128xi32, #tpu.memory_space<vmem>>
      %dma_wait3A_15 = arith.constant 0 : i32
      %dma_wait3A_16 = arith.constant 0 : i32
      %dma_wait3A_17 = tpu.memref_slice %arg2[%dma_wait3A_15, %dma_wait3A_16] : memref<20000x128xbf16, #tpu.memory_space<hbm>> -> memref<20000x128xbf16, #tpu.memory_space<hbm>>
      tpu.wait_indirect_dma semaphore(%arg16 : memref<!tpu.dma_semaphore, #tpu.memory_space<semaphore_mem>>) src(%dma_wait3A_17 : memref<20000x128xbf16, #tpu.memory_space<hbm>>) dst(%arg12 : memref<128x128xbf16, #tpu.memory_space<vmem>>)
      "tpu.region"() ({
        %run_scoped3A = tpu.sem_alloc : memref<!tpu.dma_semaphore, #tpu.memory_space<semaphore_mem>>
        %dma_start3A_18 = arith.constant 0 : i32
        %dma_start3A_19 = tpu.memref_slice %arg11[%scan3A_7, %dma_start3A_18] : memref<79x128xi32, #tpu.memory_space<vmem>> -> memref<1x128xi32, #tpu.memory_space<vmem>>
        %dma_start3A_20 = tpu.memref_squeeze %dma_start3A_19 : memref<1x128xi32, #tpu.memory_space<vmem>> -> memref<128xi32, #tpu.memory_space<vmem>>
        %dma_start3A_21 = arith.constant 0 : i32
        %dma_start3A_22 = arith.constant 0 : i32
        %dma_start3A_23 = tpu.memref_slice %arg14[%dma_start3A_21, %dma_start3A_22] : memref<10112x128xbf16, #tpu.memory_space<vmem_shared>> -> memref<10112x128xbf16, #tpu.memory_space<vmem_shared>>
        tpu.enqueue_indirect_dma source(%arg12 : memref<128x128xbf16, #tpu.memory_space<vmem>>) target(%dma_start3A_23 : memref<10112x128xbf16, #tpu.memory_space<vmem_shared>>) offsets(%dma_start3A_20 : memref<128xi32, #tpu.memory_space<vmem>>) semaphore(%run_scoped3A : memref<!tpu.dma_semaphore, #tpu.memory_space<semaphore_mem>>) {add = true}
        %dma_wait3A_24 = arith.constant 0 : i32
        %dma_wait3A_25 = tpu.memref_slice %arg11[%scan3A_7, %dma_wait3A_24] : memref<79x128xi32, #tpu.memory_space<vmem>> -> memref<1x128xi32, #tpu.memory_space<vmem>>
        %dma_wait3A_26 = tpu.memref_squeeze %dma_wait3A_25 : memref<1x128xi32, #tpu.memory_space<vmem>> -> memref<128xi32, #tpu.memory_space<vmem>>
        %dma_wait3A_27 = arith.constant 0 : i32
        %dma_wait3A_28 = arith.constant 0 : i32
        %dma_wait3A_29 = tpu.memref_slice %arg14[%dma_wait3A_27, %dma_wait3A_28] : memref<10112x128xbf16, #tpu.memory_space<vmem_shared>> -> memref<10112x128xbf16, #tpu.memory_space<vmem_shared>>
        tpu.wait_indirect_dma semaphore(%run_scoped3A : memref<!tpu.dma_semaphore, #tpu.memory_space<semaphore_mem>>) src(%arg12 : memref<128x128xbf16, #tpu.memory_space<vmem>>) dst(%dma_wait3A_29 : memref<10112x128xbf16, #tpu.memory_space<vmem_shared>>)
        tpu.yield
      }) : () -> ()
    }
    %scan3A_5 = arith.constant 79 : i32
    %barrier3A_6 = arith.constant 0 : index
    tpu.barrier barrier_id(%barrier3A_6)
    "tpu.region"() ({
      %run_scoped3A = tpu.sem_alloc : memref<!tpu.dma_semaphore, #tpu.memory_space<semaphore_mem>>
      %dma_start3A = arith.constant 0 : i32
      %dma_start3A_7 = tpu.memref_slice %arg8[%arg0, %multiple_of3A, %dma_start3A] : memref<2x10112x128xbf16, #tpu.memory_space<hbm>> -> memref<1x632x128xbf16, #tpu.memory_space<hbm>>
      %dma_start3A_8 = tpu.memref_squeeze %dma_start3A_7 : memref<1x632x128xbf16, #tpu.memory_space<hbm>> -> memref<632x128xbf16, #tpu.memory_space<hbm>>
      %dma_start3A_9 = arith.constant 0 : i32
      %dma_start3A_10 = tpu.memref_slice %arg14[%multiple_of3A, %dma_start3A_9] : memref<10112x128xbf16, #tpu.memory_space<vmem_shared>> -> memref<632x128xbf16, #tpu.memory_space<vmem_shared>>
      tpu.enqueue_dma source(%dma_start3A_10 : memref<632x128xbf16, #tpu.memory_space<vmem_shared>>) target(%dma_start3A_8 : memref<632x128xbf16, #tpu.memory_space<hbm>>) target_semaphore(%run_scoped3A : memref<!tpu.dma_semaphore, #tpu.memory_space<semaphore_mem>>)
      %dma_wait3A = arith.constant 0 : i32
      %dma_wait3A_11 = tpu.memref_slice %arg8[%arg0, %multiple_of3A, %dma_wait3A] : memref<2x10112x128xbf16, #tpu.memory_space<hbm>> -> memref<1x632x128xbf16, #tpu.memory_space<hbm>>
      %dma_wait3A_12 = tpu.memref_squeeze %dma_wait3A_11 : memref<1x632x128xbf16, #tpu.memory_space<hbm>> -> memref<632x128xbf16, #tpu.memory_space<hbm>>
      %dma_wait3A_13 = arith.constant 0 : i32
      %dma_wait3A_14 = tpu.memref_slice %arg14[%multiple_of3A, %dma_wait3A_13] : memref<10112x128xbf16, #tpu.memory_space<vmem_shared>> -> memref<632x128xbf16, #tpu.memory_space<vmem_shared>>
      tpu.wait_dma2 semaphore(%run_scoped3A : memref<!tpu.dma_semaphore, #tpu.memory_space<semaphore_mem>>) src(%dma_wait3A_14 : memref<632x128xbf16, #tpu.memory_space<vmem_shared>>) dst(%dma_wait3A_12 : memref<632x128xbf16, #tpu.memory_space<hbm>>)
      tpu.yield
    }) : () -> ()
    "tpu.region"() ({
      %run_scoped3A = tpu.sem_alloc : memref<!tpu.dma_semaphore, #tpu.memory_space<semaphore_mem>>
      %dma_start3A = arith.constant 0 : i32
      %dma_start3A_7 = tpu.memref_slice %arg9[%arg0, %multiple_of3A, %dma_start3A] : memref<2x10112x16xf32, #tpu.memory_space<hbm>> -> memref<1x632x16xf32, #tpu.memory_space<hbm>>
      %dma_start3A_8 = tpu.memref_squeeze %dma_start3A_7 : memref<1x632x16xf32, #tpu.memory_space<hbm>> -> memref<632x16xf32, #tpu.memory_space<hbm>>
      %dma_start3A_9 = arith.constant 0 : i32
      %dma_start3A_10 = tpu.memref_slice %arg15[%multiple_of3A, %dma_start3A_9] : memref<10112x16xf32, #tpu.memory_space<vmem_shared>> -> memref<632x16xf32, #tpu.memory_space<vmem_shared>>
      tpu.enqueue_dma source(%dma_start3A_10 : memref<632x16xf32, #tpu.memory_space<vmem_shared>>) target(%dma_start3A_8 : memref<632x16xf32, #tpu.memory_space<hbm>>) target_semaphore(%run_scoped3A : memref<!tpu.dma_semaphore, #tpu.memory_space<semaphore_mem>>)
      %dma_wait3A = arith.constant 0 : i32
      %dma_wait3A_11 = tpu.memref_slice %arg9[%arg0, %multiple_of3A, %dma_wait3A] : memref<2x10112x16xf32, #tpu.memory_space<hbm>> -> memref<1x632x16xf32, #tpu.memory_space<hbm>>
      %dma_wait3A_12 = tpu.memref_squeeze %dma_wait3A_11 : memref<1x632x16xf32, #tpu.memory_space<hbm>> -> memref<632x16xf32, #tpu.memory_space<hbm>>
      %dma_wait3A_13 = arith.constant 0 : i32
      %dma_wait3A_14 = tpu.memref_slice %arg15[%multiple_of3A, %dma_wait3A_13] : memref<10112x16xf32, #tpu.memory_space<vmem_shared>> -> memref<632x16xf32, #tpu.memory_space<vmem_shared>>
      tpu.wait_dma2 semaphore(%run_scoped3A : memref<!tpu.dma_semaphore, #tpu.memory_space<semaphore_mem>>) src(%dma_wait3A_14 : memref<632x16xf32, #tpu.memory_space<vmem_shared>>) dst(%dma_wait3A_12 : memref<632x16xf32, #tpu.memory_space<hbm>>)
      tpu.yield
    }) : () -> ()
    return
  }
}

module attributes {stable_mosaic.version = 14 : i64} {
  func.func @body(%arg0: i32, %arg1: memref<2x1000x128xbf16, #tpu.memory_space<vmem>>, %arg2: memref<2x1000x16xf32, #tpu.memory_space<vmem>>, %arg3: memref<128x128xf32, #tpu.memory_space<vmem>>, %arg4: memref<1000x128xf32, #tpu.memory_space<vmem>>) attributes {dimension_semantics = [#tpu.dimension_semantics<arbitrary>], iteration_bounds = array<i64: 10>, scalar_prefetch = 0 : i64, scratch_operands = 0 : i64, tpu.core_type = #tpu.core_type<tc>, window_params = [{transform_indices = @transform_0, window_bounds = array<i64: 2, 1000, 128>}, {transform_indices = @transform_1, window_bounds = array<i64: 2, 1000, 16>}, {pipeline_mode = #tpu.pipeline_mode<synchronous>, transform_indices = @transform_2, window_bounds = array<i64: 128, 128>}, {transform_indices = @transform_3, window_bounds = array<i64: 1000, 128>}]} {
    %get3A = arith.constant 0 : index
    %get3A_0 = arith.constant 0 : index
    %get3A_1 = arith.constant 0 : index
    %get3A_2 = vector.load %arg1[%get3A, %get3A_0, %get3A_1] : memref<2x1000x128xbf16, #tpu.memory_space<vmem>>, vector<1x1000x128xbf16>
    %get3A_3 = vector.shape_cast %get3A_2 : vector<1x1000x128xbf16> to vector<1000x128xbf16>
    %convert_element_type3A = arith.extf %get3A_3 : vector<1000x128xbf16> to vector<1000x128xf32>
    %get3A_4 = arith.constant 1 : index
    %get3A_5 = arith.constant 0 : index
    %get3A_6 = arith.constant 0 : index
    %get3A_7 = vector.load %arg1[%get3A_4, %get3A_5, %get3A_6] : memref<2x1000x128xbf16, #tpu.memory_space<vmem>>, vector<1x1000x128xbf16>
    %get3A_8 = vector.shape_cast %get3A_7 : vector<1x1000x128xbf16> to vector<1000x128xbf16>
    %convert_element_type3A_9 = arith.extf %get3A_8 : vector<1000x128xbf16> to vector<1000x128xf32>
    %add3A = arith.addf %convert_element_type3A, %convert_element_type3A_9 : vector<1000x128xf32>
    %get3A_10 = arith.constant 0 : index
    %get3A_11 = arith.constant 0 : index
    %get3A_12 = arith.constant 0 : index
    %get3A_13 = vector.load %arg2[%get3A_10, %get3A_11, %get3A_12] : memref<2x1000x16xf32, #tpu.memory_space<vmem>>, vector<1x1000x16xf32>
    %get3A_14 = vector.shape_cast %get3A_13 : vector<1x1000x16xf32> to vector<1000x16xf32>
    %get3A_15 = arith.constant 1 : index
    %get3A_16 = arith.constant 0 : index
    %get3A_17 = arith.constant 0 : index
    %get3A_18 = vector.load %arg2[%get3A_15, %get3A_16, %get3A_17] : memref<2x1000x16xf32, #tpu.memory_space<vmem>>, vector<1x1000x16xf32>
    %get3A_19 = vector.shape_cast %get3A_18 : vector<1x1000x16xf32> to vector<1000x16xf32>
    %add3A_20 = arith.addf %get3A_14, %get3A_19 : vector<1000x16xf32>
    %reduce_sum3A = arith.constant dense<0.000000e+00> : vector<1000xf32>
    %reduce_sum3A_21 = vector.multi_reduction <add>, %add3A_20, %reduce_sum3A [1] : vector<1000x16xf32> to vector<1000xf32>
    %broadcast_in_dim3A = vector.shape_cast %reduce_sum3A_21 : vector<1000xf32> to vector<1000x1xf32>
    %max3A = arith.constant 1.600000e+01 : f32
    %max3A_22 = vector.broadcast %max3A : f32 to vector<1000x1xf32>
    %max3A_23 = arith.maximumf %broadcast_in_dim3A, %max3A_22 : vector<1000x1xf32>
    %div3A = arith.constant 1.600000e+01 : f32
    %div3A_24 = vector.broadcast %div3A : f32 to vector<1000x1xf32>
    %div3A_25 = arith.divf %div3A_24, %max3A_23 : vector<1000x1xf32>
    %mul3A = vector.broadcast %div3A_25 : vector<1000x1xf32> to vector<1000x128xf32>
    %mul3A_26 = arith.mulf %add3A, %mul3A : vector<1000x128xf32>
    %get3A_27 = arith.constant 0 : index
    %get3A_28 = arith.constant 0 : index
    %get3A_29 = vector.load %arg3[%get3A_27, %get3A_28] : memref<128x128xf32, #tpu.memory_space<vmem>>, vector<128x128xf32>
    %dot_general3A = arith.constant dense<0.000000e+00> : vector<1000x128xf32>
    %dot_general3A_30 = tpu.matmul %mul3A_26, %get3A_29, %dot_general3A {dimension_numbers = #tpu.dot_dimension_numbers<[1], [1], [0], [0], [0, 0, 1, 0], [], []>, transpose_lhs_hint = false} : vector<1000x128xf32>, vector<128x128xf32>, vector<1000x128xf32> -> vector<1000x128xf32>
    %swap3A = arith.constant 0 : index
    %swap3A_31 = arith.constant 0 : index
    %swap3A_32 = vector.load %arg4[%swap3A, %swap3A_31] : memref<1000x128xf32, #tpu.memory_space<vmem>>, vector<1000x128xf32>
    tpu.vector_store %arg4[%swap3A, %swap3A_31], %dot_general3A_30 {strides = array<i32>} : memref<1000x128xf32, #tpu.memory_space<vmem>>, vector<1000x128xf32>,
    return
  }
  func.func @transform_0(%arg0: i32) -> (i32, i32, i32) {
    %c0_i32 = arith.constant 0 : i32
    %c0_i32_0 = arith.constant 0 : i32
    %c0_i32_1 = arith.constant 0 : i32
    return %c0_i32, %arg0, %c0_i32_0 : i32, i32, i32
  }
  func.func @transform_1(%arg0: i32) -> (i32, i32, i32) {
    %c0_i32 = arith.constant 0 : i32
    %c0_i32_0 = arith.constant 0 : i32
    %c0_i32_1 = arith.constant 0 : i32
    return %c0_i32, %arg0, %c0_i32_0 : i32, i32, i32
  }
  func.func @transform_2(%arg0: i32) -> (i32, i32) {
    %c0_i32 = arith.constant 0 : i32
    %c0_i32_0 = arith.constant 0 : i32
    %c0_i32_1 = arith.constant 0 : i32
    return %c0_i32, %c0_i32_0 : i32, i32
  }
  func.func @transform_3(%arg0: i32) -> (i32, i32) {
    %c0_i32 = arith.constant 0 : i32
    %c0_i32_0 = arith.constant 0 : i32
    return %arg0, %c0_i32 : i32, i32
  }
}

</mosaic_0001>

<sc_bundles>
// kernel: kernel.4.cloned.1.call-start
scs
__scs_entry_jumppad:
0x0: {  	(pc) =	sbr.rel $0x88, $3  }
0x1: {  	(tag) =	ssettag $0x0;
	lr =	simm.s32 $0x1  }
0x2: {  	[smem:$0x3F9E] =	sst lr;
	_ =	strace $0xD0000000  }
0x3: {  	_ = 	snop  }
0x4: {  	_ = 	snop  }
0x5: {  	_ = 	snop  }
0x6: {  	_ = 	snop  }
0x7: {  	_ = 	snop  }
__scs_overlays_trampoline_lowered:
0x8: {  	[smem:$0x3FAD] =	sst s0  }
0x9: {  	[smem:$0x3FAE] =	sst s1  }
0xa: {  	[smem:$0x3FAF] =	sst s2  }
0xb: {  	[smem:$0x3FB0] =	sst s3  }
0xc: {  	[smem:$0x3FB1] =	sst s4  }
0xd: {  	[smem:$0x3FB2] =	sst s5  }
0xe: {  	[smem:$0x3FB3] =	sst s6  }
0xf: {  	[smem:$0x3FB4] =	sst s7  }
0x10: {  	[smem:$0x3FB5] =	sst s8  }
0x11: {  	[smem:$0x3FB6] =	sst s9;
	s0 =	simm.s32 @!p0 $0x0  }
0x12: {  	s1 =	sld [smem:$0x3F9C];
	s0 =	simm.s32 @p0 $0x1  }
0x13: {  	[smem:$0x3FB7] =	sst s0;
	s0 =	simm.s32 @!p1 $0x0  }
0x14: {  	s2 =	sld [smem:$0x3F9B];
	s0 =	simm.s32 @p1 $0x1  }
0x15: {  	[smem:$0x3FB8] =	sst s0;
	s0 =	simm.s32 @!p2 $0x0  }
0x16: {  	s3 =	sld [smem:$0x3FDB];
	s0 =	simm.s32 @p2 $0x1  }
0x17: {  	s4 =	simm.s32 $0x1BF5;
	[smem:$0x3FBA] =	sst s0  }
0x18: {  	s0 =	sld [smem:$0x3F9D];
	_ =	swait.ge [sflag:s4], $0x0  }
0x19: {  	s7 =	sld [smem:$0x3F9E]  }
0x1a: {  	s8 =	sadd.s32 $0xFFFFE003, lr  }
0x1b: {  	s9 =	sadd.s32 $0xFFFFFEF7, lr;
	s5 =	simm.s32 $0xFFFFFFFF;
	p2 =	slt.u32 s8, $0xFFFFF086  }
0x1c: {  	p1 =	slt.u32 s9, $0xF7A;
	s5 =	simm.s32 @!p2 $0x0  }
0x1d: {  	s5 =	simm.s32 @p1 $0x1;
	p0 =	seq.s32 s7, s2  }
0x1e: {  	s7 =	smul.u32 @!p0 $0xF7A, s2;
	p2 =	seq.s32 @!p0 s5, $0x0  }
0x1f: {  	s9 =	smul.u32 $0xF7A, s1;
	s8 =	simm.s32 @!p0 $0x1BF5;
	p2 =	por !p2, p0  }
0x20: {  	[sflag:s8] =	ssyncset.s32 @!p0 $0xFFFFF086;
	s6 =	sadd.s32 @!p0 s3, s7;
	s7 =	simm.s32 @!p0 $0x108  }
0x21: {  	s3 =	sadd.s32 s3, s9;
	s6 =	sadd.s32 @!p0 $0x88, s6;
	s7 =	simm.s32 @p2 $0x1082  }
0x22: {  	[simem:s7], [sflag:s8] =	dma.local @!p0 [hbm:s6], $0xF7A  }
0x23: {  	s9 =	sor.u32 $0xD0000000, s2;
	s6 =	simm.s32 $0x108;
	_ =	swait.ge @!p0 [sflag:s8], $0x0  }
0x24: {  	s3 =	sadd.s32 $0x88, s3;
	s6 =	simm.s32 @!p1 $0x1082;
	[sflag:s4] =	ssyncset.s32 $0xFFFFF086  }
0x25: {  	[simem:s6], [sflag:s4] =	dma.local [hbm:s3], $0xF7A  }
0x26: {  	[smem:$0x3F9E] =	sst s1;
	(tag) =	ssettag s2;
	_ =	strace s9  }
0x27: {  	s1 =	sld [smem:$0x3FAE]  }
0x28: {  	s2 =	sld [smem:$0x3FAF]  }
0x29: {  	s4 =	sld [smem:$0x3FB1]  }
0x2a: {  	p0 =	seq.s32 s5, $0x0;
	s5 =	sld [smem:$0x3FB2]  }
0x2b: {  	s6 =	sld [smem:$0x3FB3]  }
0x2c: {  	s7 =	sld [smem:$0x3FB4]  }
0x2d: {  	s3 =	simm.s32 $0x108;
	s8 =	sld [smem:$0x3FB5]  }
0x2e: {  	s3 =	simm.s32 @!p0 $0x1082;
	s9 =	sld [smem:$0x3FB6]  }
0x2f: {  	lr =	sadd.s32 s0, s3;
	s0 =	sld [smem:$0x3FAD]  }
0x30: {  	s3 =	sld [smem:$0x3FB0]  }
0x31: {  	[smem:$0x3FB9] =	sst s10  }
0x32: {  	s10 =	sld [smem:$0x3FB7];
	_ =	sdelay $0x3  }
0x33: {  	p0 =	seq.s32 s10, $0x1;
	s10 =	sld [smem:$0x3FB9];
	_ =	sdelay $0x3  }
0x34: {  	[smem:$0x3FB9] =	sst s10  }
0x35: {  	s10 =	sld [smem:$0x3FB8];
	_ =	sdelay $0x3  }
0x36: {  	p1 =	seq.s32 s10, $0x1;
	s10 =	sld [smem:$0x3FB9];
	_ =	sdelay $0x3  }
0x37: {  	[smem:$0x3FB9] =	sst s10  }
0x38: {  	s10 =	sld [smem:$0x3FBA]  }
0x39: {  	_ = 	snop;
	(pc) =	sbr.ind lr, $3  }
0x3a: {  	_ = 	snop  }
0x3b: {  	_ = 	snop  }
0x3c: {  	p2 =	seq.s32 s10, $0x1;
	s10 =	sld [smem:$0x3FB9]  }
0x3d: {  	_ =	shalt  }
0x3e: {  	_ =	shalt  }
0x3f: {  	_ =	shalt  }
0x40: {  	_ =	shalt  }
0x41: {  	_ =	shalt  }
0x42: {  	_ =	shalt  }
0x43: {  	_ =	shalt  }
0x44: {  	_ =	shalt  }
0x45: {  	_ =	shalt  }
0x46: {  	_ =	shalt  }
0x47: {  	_ =	shalt  }
0x48: {  	_ =	shalt  }
0x49: {  	_ =	shalt  }
0x4a: {  	_ =	shalt  }
0x4b: {  	_ =	shalt  }
0x4c: {  	_ =	shalt  }
0x4d: {  	_ =	shalt  }
0x4e: {  	_ =	shalt  }
0x4f: {  	_ =	shalt  }
0x50: {  	_ =	shalt  }
0x51: {  	_ =	shalt  }
0x52: {  	_ =	shalt  }
0x53: {  	_ =	shalt  }
0x54: {  	_ =	shalt  }
0x55: {  	_ =	shalt  }
0x56: {  	_ =	shalt  }
0x57: {  	_ =	shalt  }
0x58: {  	_ =	shalt  }
0x59: {  	_ =	shalt  }
0x5a: {  	_ =	shalt  }
0x5b: {  	_ =	shalt  }
0x5c: {  	_ =	shalt  }
0x5d: {  	_ =	shalt  }
0x5e: {  	_ =	shalt  }
0x5f: {  	_ =	shalt  }
0x60: {  	_ =	shalt  }
0x61: {  	_ =	shalt  }
0x62: {  	_ =	shalt  }
0x63: {  	_ =	shalt  }
0x64: {  	_ =	shalt  }
0x65: {  	_ =	shalt  }
0x66: {  	_ =	shalt  }
0x67: {  	_ =	shalt  }
0x68: {  	_ =	shalt  }
0x69: {  	_ =	shalt  }
0x6a: {  	_ =	shalt  }
0x6b: {  	_ =	shalt  }
0x6c: {  	_ =	shalt  }
0x6d: {  	_ =	shalt  }
0x6e: {  	_ =	shalt  }
0x6f: {  	_ =	shalt  }
0x70: {  	_ =	shalt  }
0x71: {  	_ =	shalt  }
0x72: {  	_ =	shalt  }
0x73: {  	_ =	shalt  }
0x74: {  	_ =	shalt  }
0x75: {  	_ =	shalt  }
0x76: {  	_ =	shalt  }
0x77: {  	_ =	shalt  }
0x78: {  	_ =	shalt  }
0x79: {  	_ =	shalt  }
0x7a: {  	_ =	shalt  }
0x7b: {  	_ =	shalt  }
0x7c: {  	_ =	shalt  }
0x7d: {  	_ =	shalt  }
0x7e: {  	_ =	shalt  }
0x7f: {  	_ =	shalt  }
0x80: {  	_ =	shalt  }
0x81: {  	_ =	shalt  }
0x82: {  	_ =	shalt  }
0x83: {  	_ =	shalt  }
0x84: {  	_ =	shalt  }
0x85: {  	_ =	shalt  }
0x86: {  	_ =	shalt  }
0x87: {  	_ =	shalt  }
.Lfunc_end0:
.L_simem_size_0:
called_computation_lowered:
.L_overlay_start_0:
0x88: {  	s2 =	sld [smem:$0x3FD9]  }
0x89: {  	s3 =	sld [smem:$0x3FFE];
	_ =	sdelay $0x1  }
0x8a: {  	s1 =	srdreg.scid  }
0x8b: {  	s0 =	sand.u32 $0x1, s1  }
0x8c: {  	s17 =	sshll.u32 s0, $0xA;
	s2 =	sadd.s32 s3, s2  }
0x8d: {  	s2 =	sadd.s32 s2, s17  }
0x8e: {  	[smem:$0x3FC5] =	sst s2  }
0x8f: {  	_ = 	snop  }
0x90: {  	s2 =	sld [smem:$0x3FD0];
	(tm) =	ssettm $0x1  }
0x91: {  	s18 =	sld [smem:$0x3FFB];
	_ =	sdelay $0x3  }
0x92: {  	_ =	strace s18  }
0x93: {  	s3 =	sld [smem:$0x3FFC];
	_ =	sdelay $0x3  }
0x94: {  	_ =	strace s3  }
0x95: {  	s3 =	sld [smem:$0x3FFD];
	_ =	sdelay $0x3  }
0x96: {  	_ =	strace s3  }
0x97: {  	_ =	strace $0x8FFFFFFF  }
0x98: {  	s19 =	sld [smem:$0x3FDB];
	_ =	sdelay $0x1  }
0x99: {  	s4 =	simm.s32 $_scs_section_size  }
0x9a: {  	s5 =	simm.s32 $_size__tile_overlayer_lowered;
	s6 =	simm.s32 $_tile_overlayer_lowered  }
0x9b: {  	s22 =	simm.s32 $0x1BFF;
	s21 =	sshll.u32 s6, $0x1;
	s3 =	sadd.s32 s4, s19  }
0x9c: {  	s7 =	simm.s32 $0x0;
	s20 =	sshll.u32 s5, $0x1;
	s5 =	sadd.s32 s21, s3  }
0x9d: {  	[timem:s7], [sflag:s22] =	dma.local [hbm:s5], s20  }
0x9e: {  	_ =	swait.ge [sflag:s22], s20  }
0x9f: {  	s4 =	ssub.s32 $0x0, s20;
	[sflag:s22] =	ssyncset.done $0x0  }
0xa0: {  	[sflag:s22] =	ssyncadd.s32 s4;
	_ =	sdelay $0x1  }
0xa1: {  	s23 =	simm.s32 $0x1B8B  }
0xa2: {  	_ =	swait.ge [sflag:s23], $0x1  }
0xa3: {  	[sflag:s23] =	ssyncset.done $0x0  }
0xa4: {  	s25 =	simm.s32 $0x1B8E;
	s24 =	sld [smem:$0x3FFE];
	[sflag:s23] =	ssyncadd.s32 $0xFFFFFFFF  }
0xa5: {  	s26 =	simm.s32 $execute0_lowered;
	[smem:$0x3FD2] =	sst s25  }
0xa6: {  	s5 =	sshll.u32 s26, $0x1;
	_ =	strace $0x80000046;
	[dreg:$0x1] =	wrdreg $0xFFFFFFFF  }
0xa7: {  	s28 =	simm.s32 $_size_execute0_lowered;
	s3 =	sadd.s32 s3, s5;
	[dreg:$0x0] =	wrdreg $0x0  }
0xa8: {  	s5 =	sshll.u32 s28, $0x1;
	[dreg:$0x2] =	wrdreg s3  }
0xa9: {  	[dreg:$0x3] =	wrdreg s5  }
0xaa: {  	[dreg:$0x4] =	wrdreg $0xC0  }
0xab: {  	_ =	task [dreg:s7], $0x5FFFF  }
0xac: {  	[dreg:$0x1] =	wrdreg $0xFFFFFFFF  }
0xad: {  	[dreg:$0x0] =	wrdreg $0x60  }
0xae: {  	[dreg:$0x2] =	wrdreg s2  }
0xaf: {  	[dreg:$0x3] =	wrdreg s24  }
0xb0: {  	[dreg:$0x4] =	wrdreg $0x77000  }
0xb1: {  	[dreg:$0x5] =	wrdreg $0x115000  }
0xb2: {  	[dreg:$0x6] =	wrdreg $0x9  }
0xb3: {  	_ =	task.clear_ibuf [dreg:s7], $0x7FFFF;
	_ =	strace $0x90000046  }
0xb4: {  	s29 =	simm.s32 $0x9;
	_ =	strace $0x80000048  }
0xb5: {  	_ =	swait.ge [sflag:s29], $0x1  }
0xb6: {  	[sflag:s29] =	ssyncadd.s32 $0xFFFFFFFF  }
0xb7: {  	_ =	strace $0x90000048  }
0xb8: {  	_ =	sfence  }
0xb9: {  	s30 =	sld [smem:$0x0];
	_ =	sdelay $0x2  }
0xba: {  	s31 =	sshll.u32 s1, $0xD;
	s1 =	sshrl.u32 s1, $0x2  }
0xbb: {  	s3 =	sand.u32 $0x4000, s31;
	s1 =	sadd.s32 s1, s30  }
0xbc: {  	s0 =	sor.u32 s3, s0;
	s1 =	sshll.u32 s1, $0x11  }
0xbd: {  	s0 =	sor.u32 s1, s0  }
0xbe: {  	s0 =	sadd.s32 $0x8F2B, s0  }
0xbf: {  	[sflag:s0] =	ssyncadd.remote.s32 $0x1  }
0xc0: {  	_ =	sfence.sel $0xFFFF  }
0xc1: {  	[dreg:$0x0] =	wrdreg $0xFFFFFFFF;
	(pc) =	sbr.abs _section_cstart, $3  }
0xc2: {  	[dreg:$0x1] =	wrdreg $0xFFFFFFFF  }
0xc3: {  	_ =	task.clear_ibuf [dreg:s7], $0x2FFFF;
	_ =	strace $0x9FFFFFFF  }
0xc4: {  	(tm) =	ssettm $0x7FFFFFFF  }
0xc5: {  	_ =	shalt  }
tec
execute0_lowered:
.L_overlay_start_1:
0x0: {  	(tag) =	ssettag $0x1  }
0x1: {  	s1 =	rddreg [dreg:$0x0]  }
0x2: {  	s7 =	rddreg [dreg:$0x1]  }
0x3: {  	s3 =	rddreg [dreg:$0x2]  }
0x4: {  	s4 =	rddreg [dreg:$0x3]  }
0x5: {  	s0 =	rddreg [dreg:$0x4]  }
0x6: {  	s2 =	stileid.u32;
	s5 =	simm.s32 $0x0;
	s6 =	srdreg.scid  }
0x7: {  	s18 =	simm.s32 $0x6F00;
	s19 =	simm.s32 $0x2780;
	s20 =	simm.s32 $0x80  }
0x8: {  	s21 =	simm.s32 $0x4F00;
	s22 =	simm.s32 $0x1;
	s8 =	smul.u32 $0x13C00, s2  }
0x9: {  	s23 =	simm.s32 $0x0;
	s9 =	smul.u32 $0x2780, s2;
	s10 =	sand.u32 $0x1, s6  }
0xa: {  	[smem:$0x7FF] =	sst s5;
	s31 =	sshll.u32 s2, $0x6;
	s6 =	smul.u32 $0x13C000, s10  }
0xb: {  	_ =	strace $0x80000047;
	s13 =	smul.u32 $0x27800, s10;
	s10 =	ssub.s32 $0x2, s10  }
0xc: {  	s11 =	sshrl.u32 s8, $0x4;
	s12 =	sshrl.u32 s9, $0x3;
	s30 =	sshrl.u32 s10, $0x1  }
0xd: {  	s17 =	sadd.s32 s9, s4;
	s11 =	sadd.s32 s11, s7;
	s12 =	sadd.s32 s12, s7  }
0xe: {  	s14 =	sadd.s32 s8, s6;
	s6 =	sadd.s32 $0x27E00, s7;
	s13 =	sadd.s32 s9, s13  }
0xf: {  	s8 =	sshrl.u32 s8, $0x1;
	s15 =	ssub.s32 s10, s30;
	s17 =	sshrl.u32 s17, $0x3  }
0x10: {  	s14 =	sshrl.u32 s14, $0x4;
	s13 =	sshrl.u32 s13, $0x3;
	s16 =	sadd.s32 s8, s3  }
0x11: {  	s8 =	sor.u32 $0x1C02, s31;
	s9 =	sadd.s32 $0x28000, s12;
	s13 =	sadd.s32 s13, s7  }
0x12: {  	s14 =	sadd.s32 s14, s7;
	s7 =	sadd.s32 $0xA400, s11;
	s10 =	sadd.s32 $0x600, s13  }
0x13: {  	s11 =	sadd.s32 $0x1E000, s13;
	s12 =	sadd.s32 $0x2D000, s14;
	s13 =	sadd.s32 $0x54800, s13  }
0x14: {  	s14 =	smax.u32 s15, $0x1;
	s15 =	sshrl.u32 s16, $0x3;
	s16 =	simm.s32 $0x2  }
.LBB2_1:
0x15: {  	[spmem:s15], [sflag:s8] =	dma.local [hbm:s7], $0x13C0  }
0x16: {  	_ =	swait.ge [sflag:s16], $0x13C0  }
0x17: {  	[sflag:s16] =	ssyncset.done $0x0  }
0x18: {  	[sflag:s16] =	ssyncadd.s32 $0xFFFFEC40  }
0x19: {  	[spmem:s17], [sflag:s8] =	dma.local [hbm:s9], $0x4F0  }
0x1a: {  	_ =	swait.ge [sflag:s16], $0x4F0  }
0x1b: {  	[sflag:s16] =	ssyncset.done $0x0  }
0x1c: {  	[sflag:s16] =	ssyncadd.s32 $0xFFFFFB10  }
0x1d: {  	[tilespmem:s18], [sflag:$0x2] =	stream.linear.gather [hbm4b:s6+s5], $0x800, $0x38;
	[tilespmem:$0x13C80] =	vst v63  }
0x1e: {  	_ =	swait.ge [sflag:s16], $0x800  }
0x1f: {  	[sflag:s16] =	ssyncset.done $0x0  }
0x20: {  	[sflag:s16] =	ssyncadd.s32 $0xFFFFF800  }
0x21: {  	[tilespmem:s5], [sflag:$0x2] =	stream.linear.gather [hbm4b:s10+s5], $0x2780, $0x38;
	[tilespmem:$0x13C80] =	vst v63  }
0x22: {  	_ =	swait.ge [sflag:s16], $0x2780  }
0x23: {  	[sflag:s16] =	ssyncset.done $0x0  }
0x24: {  	[sflag:s16] =	ssyncadd.s32 $0xFFFFD880  }
0x25: {  	[tilespmem:s19], [sflag:$0x2] =	stream.linear.gather [hbm4b:s11+s5], $0x2780, $0x38;
	[tilespmem:$0x13C80] =	vst v63  }
0x26: {  	_ =	swait.ge [sflag:s16], $0x2780  }
0x27: {  	[sflag:s16] =	ssyncset.done $0x0  }
0x28: {  	[sflag:s16] =	ssyncadd.s32 $0xFFFFD880  }
0x29: {  	s24 =	simm.s32 $0x0;
	[bflag:$0x0] =	sbarrier.arrive $0xFFFF  }
0x2a: {  	[tilespmem:s21], [sflag:$0x1] =	stream.indirect.gather [hbm4b:s1+s20], $0x40, s24, s20, $0xb8;
	[tilespmem:$0x13C80] =	vst v63  }
0x2b: {  	s31 =	simm.s32 $0x2780  }
0x2c: {  	[spmem:s4] =	stream.indirect.scatter.add.f32 [tilespmem:s18], [sflag:$0x2], $0x10, s31, s20, $0xb8;
	[tilespmem:$0x13C80] =	vst v63  }
0x2d: {  	_ =	swait.ge [sflag:s16], $0x800  }
0x2e: {  	[sflag:s16] =	ssyncset.done $0x0  }
0x2f: {  	[sflag:s16] =	ssyncadd.s32 $0xFFFFF800  }
0x30: {  	_ =	swait.ge [sflag:s22], $0x2000  }
0x31: {  	[sflag:s22] =	ssyncset.done $0x0  }
0x32: {  	[sflag:s22] =	ssyncadd.s32 $0xFFFFE000  }
0x33: {  	[spmem:s3] =	stream.indirect.scatter.add.bf16 [tilespmem:s21], [sflag:$0x2], $0x40, s31, s20, $0xb8;
	[tilespmem:$0x13C80] =	vst v63  }
0x34: {  	_ =	swait.ge [sflag:s16], $0x2000  }
0x35: {  	s25 =	simm.s32 $0x400;
	s24 =	simm.s32 $0x200;
	[sflag:s16] =	ssyncset.done $0x0  }
.LBB2_2:
0x36: {  	s26 =	sshra.s32 s24, $0x2  }
0x37: {  	[sflag:s16] =	ssyncadd.s32 $0xFFFFE000;
	s24 =	smov.u32 s25;
	s28 =	sadd.s32 $0x200, s25  }
0x38: {  	[tilespmem:s21], [sflag:$0x1] =	stream.indirect.gather [hbm4b:s1+s20], $0x40, s26, s20, $0xb8;
	[tilespmem:$0x13C80] =	vst v63  }
0x39: {  	p0 =	sne.s32 s25, $0x9C00;
	s25 =	sadd.s32 $0x2780, s26  }
0x3a: {  	[spmem:s4] =	stream.indirect.scatter.add.f32 [tilespmem:s18], [sflag:$0x2], $0x10, s25, s20, $0xb8;
	[tilespmem:$0x13C80] =	vst v63  }
0x3b: {  	_ =	swait.ge [sflag:s16], $0x800  }
0x3c: {  	[sflag:s16] =	ssyncset.done $0x0  }
0x3d: {  	[sflag:s16] =	ssyncadd.s32 $0xFFFFF800  }
0x3e: {  	_ =	swait.ge [sflag:s22], $0x2000  }
.Ltmp0:
0x3f: {  	[sflag:s22] =	ssyncset.done $0x0;
	(pc) =	sbr.rel @p0 .LBB2_2-.Ltmp0, $4  }
0x40: {  	[sflag:s22] =	ssyncadd.s32 $0xFFFFE000  }
0x41: {  	[spmem:s3] =	stream.indirect.scatter.add.bf16 [tilespmem:s21], [sflag:$0x2], $0x40, s25, s20, $0xb8;
	[tilespmem:$0x13C80] =	vst v63  }
0x42: {  	_ =	swait.ge [sflag:s16], $0x2000  }
0x43: {  	s25 =	smov.u32 s28;
	[sflag:s16] =	ssyncset.done $0x0  }
0x44: {  	s24 =	sshra.s32 s24, $0x2;
	[sflag:s16] =	ssyncadd.s32 $0xFFFFE000  }
0x45: {  	[tilespmem:s21], [sflag:$0x1] =	stream.indirect.gather [hbm4b:s1+s20], $0x40, s24, s20, $0xb8;
	[tilespmem:$0x13C80] =	vst v63  }
0x46: {  	s24 =	sadd.s32 $0x2780, s24  }
0x47: {  	[spmem:s4] =	stream.indirect.scatter.add.f32 [tilespmem:s18], [sflag:$0x2], $0x10, s24, s20, $0xb8;
	[tilespmem:$0x13C80] =	vst v63  }
0x48: {  	_ =	swait.ge [sflag:s16], $0x800  }
0x49: {  	[sflag:s16] =	ssyncset.done $0x0  }
0x4a: {  	[sflag:s16] =	ssyncadd.s32 $0xFFFFF800  }
0x4b: {  	_ =	swait.ge [sflag:s22], $0x2000  }
0x4c: {  	[sflag:s22] =	ssyncset.done $0x0  }
0x4d: {  	[sflag:s22] =	ssyncadd.s32 $0xFFFFE000  }
0x4e: {  	[spmem:s3] =	stream.indirect.scatter.add.bf16 [tilespmem:s21], [sflag:$0x2], $0x40, s24, s20, $0xb8;
	[tilespmem:$0x13C80] =	vst v63  }
0x4f: {  	_ =	swait.ge [sflag:s16], $0x2000  }
0x50: {  	[sflag:s16] =	ssyncset.done $0x0  }
0x51: {  	[sflag:s16] =	ssyncadd.s32 $0xFFFFE000  }
0x52: {  	[bflag:$0x0] =	sbarrier.arrive $0xFFFF  }
0x53: {  	[hbm:s12], [sflag:s8] =	dma.local [spmem:s15], $0x13C0  }
0x54: {  	s23 =	sadd.s32 $0x1, s23;
	_ =	swait.ge [sflag:s16], $0x13C0  }
0x55: {  	p0 =	sne.s32 s23, s14;
	[sflag:s16] =	ssyncset.done $0x0  }
.Ltmp1:
0x56: {  	[sflag:s16] =	ssyncadd.s32 $0xFFFFEC40;
	(pc) =	sbr.rel @p0 .LBB2_1-.Ltmp1, $4  }
0x57: {  	[hbm:s13], [sflag:s8] =	dma.local [spmem:s17], $0x4F0  }
0x58: {  	_ =	swait.ge [sflag:s16], $0x4F0  }
0x59: {  	[sflag:s16] =	ssyncset.done $0x0  }
0x5a: {  	[sflag:s16] =	ssyncadd.s32 $0xFFFFFB10  }
0x5b: {  	_ =	sfence.sel $0x180000  }
0x5c: {  	[bflag:$0x0] =	sbarrier.arrive $0xFFFF  }
0x5d: {  	p0 =	sne.s32 s2, $0x0;
	_ =	strace $0x90000047  }
0x5e: {  	s0 =	sadd.s32 @!p0 $0x100000, s0;
	[bflag:$0x2] =	sbarrier.arrive $0xFFFF  }
0x5f: {  	[sflag:s0] =	ssyncadd.tile.s32 @!p0 $0x1;
	_ =	shalt  }
.Lfunc_end2:
_tile_overlayer_lowered:
.L_overlay_start_2:
0x60: {  	(tag) =	ssettag $0x2  }
0x61: {  	s0 =	rddreg [dreg:$0x0];
	s2 =	stileid.u32  }
0x62: {  	s1 =	rddreg [dreg:$0x1];
	p0 =	sne.s32 s2, $0x0  }
0x63: {  	s3 =	rddreg [dreg:$0x2];
	[bflag:$0x3] =	sbarrier.arrive $0xFFFF;
	s2 =	simm.s32 @!p0 $0x1C02  }
0x64: {  	[timem:s3], [sflag:s2] =	dma.local @!p0 [hbm:s0], s1  }
0x65: {  	s0 =	simm.s32 @!p0 $0x2  }
0x66: {  	_ =	swait.ge @!p0 [sflag:s0], s1  }
0x67: {  	s1 =	ssub.s32 @!p0 $0x0, s1;
	[sflag:s0] =	ssyncset.done @!p0 $0x0  }
0x68: {  	[sflag:s0] =	ssyncadd.s32 @!p0 s1  }
0x69: {  	[bflag:$0x3] =	sbarrier.arrive $0xFFFF  }
0x6a: {  	_ =	shalt  }

</sc_bundles>
